<compile_context>
chip_gen: v7x
topology: tpu7x:2x2x1
jax: 0.10.2.dev20260603
libtpu: 0.0.44.dev20260713+nightly
codegen_flags: <defaults>
</compile_context>

<pallas_src>
import functools

import jax
import jax.numpy as jnp
from jax.experimental import pallas as pl

B, N, DIMS, K, UNITS = 2, 4096, 3, 16, 128
CH = DIMS * 3 + 1
BLK = 512


def _dense_kernel(rppe_ref, nf_ref, wl_ref, bl_ref, ws_ref, bs_ref,
                  wf_ref, bf_ref, out_ref):
    rppe = rppe_ref[0]
    nf = nf_ref[0]
    r = jnp.maximum(
        jnp.dot(rppe, wl_ref[...], preferred_element_type=jnp.float32)
        + bl_ref[...][None, :], 0.0)
    x = jnp.concatenate([nf, r], axis=-1)
    s = jnp.dot(x, ws_ref[...], preferred_element_type=jnp.float32) \
        + bs_ref[...][None, :]
    s = s - jnp.max(s, axis=-1, keepdims=True)
    e = jnp.exp(s)
    s = e / jnp.sum(e, axis=-1, keepdims=True)
    xs = (x * s).reshape(BLK, K, UNITS)
    att = jnp.sum(xs, axis=1)
    out = jnp.maximum(
        jnp.dot(att, wf_ref[...], preferred_element_type=jnp.float32)
        + bf_ref[...][None, :], 0.0)
    out_ref[0] = out


def _dense_call(rppe, nf, W_loc, b_loc, W_score, b_score, W_final, b_final):
    grid = (B, N // BLK)
    return pl.pallas_call(
        _dense_kernel,
        grid=grid,
        in_specs=[
            pl.BlockSpec((1, BLK * K, CH), lambda b, i: (b, i, 0)),
            pl.BlockSpec((1, BLK * K, UNITS // 2), lambda b, i: (b, i, 0)),
            pl.BlockSpec((CH, UNITS // 2), lambda b, i: (0, 0)),
            pl.BlockSpec((UNITS // 2,), lambda b, i: (0,)),
            pl.BlockSpec((UNITS, UNITS), lambda b, i: (0, 0)),
            pl.BlockSpec((UNITS,), lambda b, i: (0,)),
            pl.BlockSpec((UNITS, UNITS), lambda b, i: (0, 0)),
            pl.BlockSpec((UNITS,), lambda b, i: (0,)),
        ],
        out_specs=pl.BlockSpec((1, BLK, UNITS), lambda b, i: (b, i, 0)),
        out_shape=jax.ShapeDtypeStruct((B, N, UNITS), jnp.float32),
    )(rppe, nf, W_loc, b_loc, W_score, b_score, W_final, b_final)


def kernel(pc, feats, W_loc, b_loc, W_score, b_score, W_final, b_final):
    d2 = jnp.sum((pc[:, :, None, :] - pc[:, None, :, :]) ** 2, axis=-1)
    _, n_idx = jax.lax.top_k(-d2, K)
    n_points = jax.vmap(lambda xb, ib: xb[ib])(pc, n_idx)
    n_feats = jax.vmap(lambda xb, ib: xb[ib])(feats, n_idx)
    Kpc = jnp.broadcast_to(pc[:, :, None, :], (B, N, K, DIMS))
    relp = Kpc - n_points
    norms = jnp.sqrt(jnp.sum(relp ** 2, axis=-1, keepdims=True) + 1e-12)
    rppe = jnp.concatenate([Kpc, n_points, relp, norms], axis=-1)
    rppe = rppe.reshape(B, N * K, CH)
    nf = n_feats.reshape(B, N * K, UNITS // 2)
    return _dense_call(rppe, nf, W_loc, b_loc, W_score, b_score,
                       W_final, b_final)

# --- scband reference (transcript-rebuilt; emitter-appended) ---
"""Pipeline reference for scband-rand-lanet-33612414058920 (READ-ONLY COPY).

The authoritative reference and input builder live on the scoring server;
editing this copy changes nothing except your own understanding.
"""

import jax, jax.numpy as jnp
import numpy as np

B, N, DIMS, K, UNITS = 2, 4096, 3, 16, 128
CH = DIMS * 3 + 1  # 10


def setup_inputs(seed: int = 0) -> dict:
    key = jax.random.key(seed)
    ks = jax.random.split(key, 8)
    pc = jax.random.normal(ks[0], (B, N, DIMS), dtype=jnp.float32)
    feats = jax.random.normal(ks[1], (B, N, UNITS // 2), dtype=jnp.float32)
    W_loc = jax.random.normal(ks[2], (CH, UNITS // 2), dtype=jnp.float32) * 0.1
    b_loc = jnp.zeros((UNITS // 2,), dtype=jnp.float32)
    W_score = jax.random.normal(ks[3], (UNITS, UNITS), dtype=jnp.float32) * 0.1
    b_score = jnp.zeros((UNITS,), dtype=jnp.float32)
    W_final = jax.random.normal(ks[4], (UNITS, UNITS), dtype=jnp.float32) * 0.1
    b_final = jnp.zeros((UNITS,), dtype=jnp.float32)
    return {"pc": pc, "feats": feats, "W_loc": W_loc, "b_loc": b_loc,
            "W_score": W_score, "b_score": b_score, "W_final": W_final, "b_final": b_final}


def _gather_neighbours(x, n_idx):
    # x: (B, N, D), n_idx: (B, N, K) -> (B, N, K, D)
    return jax.vmap(lambda xb, ib: xb[ib])(x, n_idx)


def reference(pc, feats, W_loc, b_loc, W_score, b_score, W_final, b_final):
    # --- knn search (brute force, matches py_knn semantics) ---
    d2 = jnp.sum((pc[:, :, None, :] - pc[:, None, :, :]) ** 2, axis=-1)  # (B,N,N)
    _, n_idx = jax.lax.top_k(-d2, K)  # (B,N,K)
    # --- LocSE: relative point position encoding ---
    n_points = _gather_neighbours(pc, n_idx)                 # (B,N,K,dims)
    Kpc = jnp.repeat(pc[:, :, None, :], K, axis=2)           # (B,N,K,dims)
    relp = Kpc - n_points
    norms = jnp.sqrt(jnp.sum(relp ** 2, axis=-1, keepdims=True) + 1e-12)
    rppe = jnp.concatenate([Kpc, n_points, relp, norms], axis=-1)  # (B,N,K,ch)
    r = jax.nn.relu(rppe @ W_loc + b_loc)                    # (B,N,K,units//2)
    n_feats = _gather_neighbours(feats, n_idx)               # (B,N,K,units//2)
    x = jnp.concatenate([n_feats, r], axis=-1)               # (B,N,K,units)
    # --- AttentivePooling ---
    scores = jax.nn.softmax(x @ W_score + b_score, axis=-1)  # softmax over channels (Conv1D softmax activation)
    attention = jnp.sum(x * scores, axis=-2)                 # reduce over K -> (B,N,units)
    out = jax.nn.relu(attention @ W_final + b_final)         # (B,N,units)
    return out

if __name__ == "__main__":
    import jax
    _d = setup_inputs()
    print(jax.jit(kernel)(*tuple(_d.values())))

</pallas_src>

<mosaic_0001>
module attributes {stable_mosaic.version = 14 : i64} {
  func.func @_dense_kernel(%arg0: i32, %arg1: i32, %arg2: memref<1x8192x10xf32, #tpu.memory_space<vmem>>, %arg3: memref<1x8192x64xf32, #tpu.memory_space<vmem>>, %arg4: memref<10x64xf32, #tpu.memory_space<vmem>>, %arg5: memref<64xf32, #tpu.memory_space<vmem>>, %arg6: memref<128x128xf32, #tpu.memory_space<vmem>>, %arg7: memref<128xf32, #tpu.memory_space<vmem>>, %arg8: memref<128x128xf32, #tpu.memory_space<vmem>>, %arg9: memref<128xf32, #tpu.memory_space<vmem>>, %arg10: memref<1x512x128xf32, #tpu.memory_space<vmem>>) attributes {dimension_semantics = [#tpu.dimension_semantics<arbitrary>, #tpu.dimension_semantics<arbitrary>], iteration_bounds = array<i64: 2, 8>, scalar_prefetch = 0 : i64, scratch_operands = 0 : i64, tpu.core_type = #tpu.core_type<tc>, window_params = [{transform_indices = @transform_0, window_bounds = array<i64: 1, 8192, 10>}, {transform_indices = @transform_1, window_bounds = array<i64: 1, 8192, 64>}, {pipeline_mode = #tpu.pipeline_mode<synchronous>, transform_indices = @transform_2, window_bounds = array<i64: 10, 64>}, {pipeline_mode = #tpu.pipeline_mode<synchronous>, transform_indices = @transform_3, window_bounds = array<i64: 64>}, {pipeline_mode = #tpu.pipeline_mode<synchronous>, transform_indices = @transform_4, window_bounds = array<i64: 128, 128>}, {pipeline_mode = #tpu.pipeline_mode<synchronous>, transform_indices = @transform_5, window_bounds = array<i64: 128>}, {pipeline_mode = #tpu.pipeline_mode<synchronous>, transform_indices = @transform_6, window_bounds = array<i64: 128, 128>}, {pipeline_mode = #tpu.pipeline_mode<synchronous>, transform_indices = @transform_7, window_bounds = array<i64: 128>}, {transform_indices = @transform_8, window_bounds = array<i64: 1, 512, 128>}]} {
    %get3A = arith.constant 0 : index
    %get3A_0 = arith.constant 0 : index
    %get3A_1 = arith.constant 0 : index
    %get3A_2 = vector.load %arg2[%get3A, %get3A_0, %get3A_1] : memref<1x8192x10xf32, #tpu.memory_space<vmem>>, vector<1x8192x10xf32>
    %get3A_3 = vector.shape_cast %get3A_2 : vector<1x8192x10xf32> to vector<8192x10xf32>
    %get3A_4 = arith.constant 0 : index
    %get3A_5 = arith.constant 0 : index
    %get3A_6 = arith.constant 0 : index
    %get3A_7 = vector.load %arg3[%get3A_4, %get3A_5, %get3A_6] : memref<1x8192x64xf32, #tpu.memory_space<vmem>>, vector<1x8192x64xf32>
    %get3A_8 = vector.shape_cast %get3A_7 : vector<1x8192x64xf32> to vector<8192x64xf32>
    %get3A_9 = arith.constant 0 : index
    %get3A_10 = arith.constant 0 : index
    %get3A_11 = vector.load %arg4[%get3A_9, %get3A_10] : memref<10x64xf32, #tpu.memory_space<vmem>>, vector<10x64xf32>
    %dot_general3A = arith.constant dense<0.000000e+00> : vector<8192x64xf32>
    %dot_general3A_12 = tpu.matmul %get3A_3, %get3A_11, %dot_general3A {dimension_numbers = #tpu.dot_dimension_numbers<[1], [0], [0], [1], [0, 0, 1, 1], [], []>, transpose_lhs_hint = false} : vector<8192x10xf32>, vector<10x64xf32>, vector<8192x64xf32> -> vector<8192x64xf32>
    %get3A_13 = arith.constant 0 : index
    %get3A_14 = vector.load %arg5[%get3A_13] : memref<64xf32, #tpu.memory_space<vmem>>, vector<64xf32>
    %broadcast_in_dim3A = vector.shape_cast %get3A_14 : vector<64xf32> to vector<1x64xf32>
    %add3A = vector.broadcast %broadcast_in_dim3A : vector<1x64xf32> to vector<8192x64xf32>
    %add3A_15 = arith.addf %dot_general3A_12, %add3A : vector<8192x64xf32>
    %max3A = arith.constant 0.000000e+00 : f32
    %max3A_16 = vector.broadcast %max3A : f32 to vector<8192x64xf32>
    %max3A_17 = arith.maximumf %add3A_15, %max3A_16 : vector<8192x64xf32>
    %concatenate3A = tpu.concatenate %get3A_8, %max3A_17 in 1 : vector<8192x64xf32>, vector<8192x64xf32> -> vector<8192x128xf32>
    %get3A_18 = arith.constant 0 : index
    %get3A_19 = arith.constant 0 : index
    %get3A_20 = vector.load %arg6[%get3A_18, %get3A_19] : memref<128x128xf32, #tpu.memory_space<vmem>>, vector<128x128xf32>
    %dot_general3A_21 = arith.constant dense<0.000000e+00> : vector<8192x128xf32>
    %dot_general3A_22 = tpu.matmul %concatenate3A, %get3A_20, %dot_general3A_21 {dimension_numbers = #tpu.dot_dimension_numbers<[1], [0], [0], [1], [0, 0, 1, 1], [], []>, transpose_lhs_hint = false} : vector<8192x128xf32>, vector<128x128xf32>, vector<8192x128xf32> -> vector<8192x128xf32>
    %get3A_23 = arith.constant 0 : index
    %get3A_24 = vector.load %arg7[%get3A_23] : memref<128xf32, #tpu.memory_space<vmem>>, vector<128xf32>
    %broadcast_in_dim3A_25 = vector.shape_cast %get3A_24 : vector<128xf32> to vector<1x128xf32>
    %add3A_26 = vector.broadcast %broadcast_in_dim3A_25 : vector<1x128xf32> to vector<8192x128xf32>
    %add3A_27 = arith.addf %dot_general3A_22, %add3A_26 : vector<8192x128xf32>
    %reduce_max3A = arith.constant dense<0xFF800000> : vector<8192xf32>
    %reduce_max3A_28 = vector.multi_reduction <maximumf>, %add3A_27, %reduce_max3A [1] : vector<8192x128xf32> to vector<8192xf32>
    %broadcast_in_dim3A_29 = vector.shape_cast %reduce_max3A_28 : vector<8192xf32> to vector<8192x1xf32>
    %sub3A = vector.broadcast %broadcast_in_dim3A_29 : vector<8192x1xf32> to vector<8192x128xf32>
    %sub3A_30 = arith.subf %add3A_27, %sub3A : vector<8192x128xf32>
    %exp3A = math.exp %sub3A_30 : vector<8192x128xf32>
    %reduce_sum3A = arith.constant dense<0.000000e+00> : vector<8192xf32>
    %reduce_sum3A_31 = vector.multi_reduction <add>, %exp3A, %reduce_sum3A [1] : vector<8192x128xf32> to vector<8192xf32>
    %broadcast_in_dim3A_32 = vector.shape_cast %reduce_sum3A_31 : vector<8192xf32> to vector<8192x1xf32>
    %div3A = vector.broadcast %broadcast_in_dim3A_32 : vector<8192x1xf32> to vector<8192x128xf32>
    %div3A_33 = arith.divf %exp3A, %div3A : vector<8192x128xf32>
    %mul3A = arith.mulf %concatenate3A, %div3A_33 : vector<8192x128xf32>
    %reshape3A = vector.shape_cast %mul3A : vector<8192x128xf32> to vector<512x16x128xf32>
    %reduce_sum3A_34 = arith.constant dense<0.000000e+00> : vector<512x128xf32>
    %reduce_sum3A_35 = vector.multi_reduction <add>, %reshape3A, %reduce_sum3A_34 [1] : vector<512x16x128xf32> to vector<512x128xf32>
    %get3A_36 = arith.constant 0 : index
    %get3A_37 = arith.constant 0 : index
    %get3A_38 = vector.load %arg8[%get3A_36, %get3A_37] : memref<128x128xf32, #tpu.memory_space<vmem>>, vector<128x128xf32>
    %dot_general3A_39 = arith.constant dense<0.000000e+00> : vector<512x128xf32>
    %dot_general3A_40 = tpu.matmul %reduce_sum3A_35, %get3A_38, %dot_general3A_39 {dimension_numbers = #tpu.dot_dimension_numbers<[1], [0], [0], [1], [0, 0, 1, 1], [], []>, transpose_lhs_hint = false} : vector<512x128xf32>, vector<128x128xf32>, vector<512x128xf32> -> vector<512x128xf32>
    %get3A_41 = arith.constant 0 : index
    %get3A_42 = vector.load %arg9[%get3A_41] : memref<128xf32, #tpu.memory_space<vmem>>, vector<128xf32>
    %broadcast_in_dim3A_43 = vector.shape_cast %get3A_42 : vector<128xf32> to vector<1x128xf32>
    %add3A_44 = vector.broadcast %broadcast_in_dim3A_43 : vector<1x128xf32> to vector<512x128xf32>
    %add3A_45 = arith.addf %dot_general3A_40, %add3A_44 : vector<512x128xf32>
    %max3A_46 = arith.constant 0.000000e+00 : f32
    %max3A_47 = vector.broadcast %max3A_46 : f32 to vector<512x128xf32>
    %max3A_48 = arith.maximumf %add3A_45, %max3A_47 : vector<512x128xf32>
    %swap3A = arith.constant 0 : index
    %swap3A_49 = arith.constant 0 : index
    %swap3A_50 = arith.constant 0 : index
    %swap3A_51 = vector.load %arg10[%swap3A, %swap3A_49, %swap3A_50] : memref<1x512x128xf32, #tpu.memory_space<vmem>>, vector<1x512x128xf32>
    %swap3A_52 = vector.shape_cast %swap3A_51 : vector<1x512x128xf32> to vector<512x128xf32>
    %swap3A_53 = vector.shape_cast %max3A_48 : vector<512x128xf32> to vector<1x512x128xf32>
    tpu.vector_store %arg10[%swap3A, %swap3A_49, %swap3A_50], %swap3A_53 {strides = array<i32>} : memref<1x512x128xf32, #tpu.memory_space<vmem>>, vector<1x512x128xf32>,
    return
  }
  func.func @transform_0(%arg0: i32, %arg1: i32) -> (i32, i32, i32) {
    %c0_i32 = arith.constant 0 : i32
    %c0_i32_0 = arith.constant 0 : i32
    return %arg0, %arg1, %c0_i32 : i32, i32, i32
  }
  func.func @transform_1(%arg0: i32, %arg1: i32) -> (i32, i32, i32) {
    %c0_i32 = arith.constant 0 : i32
    %c0_i32_0 = arith.constant 0 : i32
    return %arg0, %arg1, %c0_i32 : i32, i32, i32
  }
  func.func @transform_2(%arg0: i32, %arg1: i32) -> (i32, i32) {
    %c0_i32 = arith.constant 0 : i32
    %c0_i32_0 = arith.constant 0 : i32
    %c0_i32_1 = arith.constant 0 : i32
    return %c0_i32, %c0_i32_0 : i32, i32
  }
  func.func @transform_3(%arg0: i32, %arg1: i32) -> i32 {
    %c0_i32 = arith.constant 0 : i32
    %c0_i32_0 = arith.constant 0 : i32
    return %c0_i32 : i32
  }
  func.func @transform_4(%arg0: i32, %arg1: i32) -> (i32, i32) {
    %c0_i32 = arith.constant 0 : i32
    %c0_i32_0 = arith.constant 0 : i32
    %c0_i32_1 = arith.constant 0 : i32
    return %c0_i32, %c0_i32_0 : i32, i32
  }
  func.func @transform_5(%arg0: i32, %arg1: i32) -> i32 {
    %c0_i32 = arith.constant 0 : i32
    %c0_i32_0 = arith.constant 0 : i32
    return %c0_i32 : i32
  }
  func.func @transform_6(%arg0: i32, %arg1: i32) -> (i32, i32) {
    %c0_i32 = arith.constant 0 : i32
    %c0_i32_0 = arith.constant 0 : i32
    %c0_i32_1 = arith.constant 0 : i32
    return %c0_i32, %c0_i32_0 : i32, i32
  }
  func.func @transform_7(%arg0: i32, %arg1: i32) -> i32 {
    %c0_i32 = arith.constant 0 : i32
    %c0_i32_0 = arith.constant 0 : i32
    return %c0_i32 : i32
  }
  func.func @transform_8(%arg0: i32, %arg1: i32) -> (i32, i32, i32) {
    %c0_i32 = arith.constant 0 : i32
    %c0_i32_0 = arith.constant 0 : i32
    return %arg0, %arg1, %c0_i32 : i32, i32, i32
  }
}

</mosaic_0001>

<sc_bundles>
// kernel: sparse-core-data-format-call.cloned.1.call-start
scs
called_computation_lowered:
.L_overlay_start_0:
0x0: {  	s1 =	sld [smem:$0x3FD9]  }
0x1: {  	s2 =	sld [smem:$0x3FFE];
	_ =	sdelay $0x1  }
0x2: {  	s3 =	srdreg.scid  }
0x3: {  	s0 =	sand.u32 $0x1, s3  }
0x4: {  	s17 =	sshll.u32 s0, $0xA;
	s1 =	sadd.s32 s2, s1  }
0x5: {  	s1 =	sadd.s32 s1, s17  }
0x6: {  	[smem:$0x3FC0] =	sst s1  }
0x7: {  	_ = 	snop  }
0x8: {  	(tm) =	ssettm $0x1  }
0x9: {  	s18 =	sld [smem:$0x3FFB];
	_ =	sdelay $0x3  }
0xa: {  	_ =	strace s18  }
0xb: {  	s1 =	sld [smem:$0x3FFC];
	_ =	sdelay $0x3  }
0xc: {  	_ =	strace s1  }
0xd: {  	s1 =	sld [smem:$0x3FFD];
	_ =	sdelay $0x3  }
0xe: {  	_ =	strace s1  }
0xf: {  	_ =	strace $0x8FFFFFFF  }
0x10: {  	s19 =	sld [smem:$0x3FDB];
	_ =	sdelay $0x1  }
0x11: {  	s20 =	simm.s32 $_scs_section_size  }
0x12: {  	s4 =	simm.s32 $_size__tile_overlayer_lowered;
	s5 =	simm.s32 $_tile_overlayer_lowered  }
0x13: {  	s23 =	simm.s32 $0x1BFF;
	s22 =	sshll.u32 s5, $0x1;
	s1 =	sadd.s32 s20, s19  }
0x14: {  	s6 =	simm.s32 $0x0;
	s21 =	sshll.u32 s4, $0x1;
	s4 =	sadd.s32 s22, s1  }
0x15: {  	[timem:s6], [sflag:s23] =	dma.local [hbm:s4], s21  }
0x16: {  	_ =	swait.ge [sflag:s23], s21  }
0x17: {  	s2 =	ssub.s32 $0x0, s21;
	[sflag:s23] =	ssyncset.done $0x0  }
0x18: {  	[sflag:s23] =	ssyncadd.s32 s2;
	_ =	sdelay $0x1  }
0x19: {  	s24 =	simm.s32 $0x1B8B  }
0x1a: {  	_ =	swait.ge [sflag:s24], $0x1  }
0x1b: {  	[sflag:s24] =	ssyncset.done $0x0  }
0x1c: {  	s26 =	simm.s32 $0x1B8E;
	s25 =	sld [smem:$0x3FFE];
	[sflag:s24] =	ssyncadd.s32 $0xFFFFFFFF  }
0x1d: {  	s27 =	simm.s32 $execute0_lowered;
	[smem:$0x3FD2] =	sst s26  }
0x1e: {  	s4 =	sshll.u32 s27, $0x1;
	_ =	strace $0x80000046;
	[dreg:$0x1] =	wrdreg $0xFFFFFFFF  }
0x1f: {  	s28 =	simm.s32 $_size_execute0_lowered;
	s1 =	sadd.s32 s1, s4;
	[dreg:$0x0] =	wrdreg $0x0  }
0x20: {  	s4 =	sshll.u32 s28, $0x1;
	[dreg:$0x2] =	wrdreg s1  }
0x21: {  	[dreg:$0x3] =	wrdreg s4  }
0x22: {  	[dreg:$0x4] =	wrdreg $0xC0  }
0x23: {  	_ =	task [dreg:s6], $0x5FFFF  }
0x24: {  	[dreg:$0x1] =	wrdreg $0xFFFFFFFF  }
0x25: {  	[dreg:$0x0] =	wrdreg $0x60  }
0x26: {  	[dreg:$0x2] =	wrdreg s25  }
0x27: {  	[dreg:$0x3] =	wrdreg $0x9  }
0x28: {  	_ =	task.clear_ibuf [dreg:s6], $0x4FFFF;
	_ =	strace $0x90000046  }
0x29: {  	s29 =	simm.s32 $0x9;
	_ =	strace $0x80000048  }
0x2a: {  	_ =	swait.ge [sflag:s29], $0x1  }
0x2b: {  	[sflag:s29] =	ssyncadd.s32 $0xFFFFFFFF  }
0x2c: {  	_ =	strace $0x90000048  }
0x2d: {  	_ =	sfence  }
0x2e: {  	s30 =	sld [smem:$0x0];
	_ =	sdelay $0x2  }
0x2f: {  	s31 =	sshll.u32 s3, $0xD;
	s3 =	sshrl.u32 s3, $0x2  }
0x30: {  	s2 =	sand.u32 $0x4000, s31;
	s1 =	sadd.s32 s3, s30  }
0x31: {  	s0 =	sor.u32 s2, s0;
	s1 =	sshll.u32 s1, $0x11  }
0x32: {  	s0 =	sor.u32 s1, s0  }
0x33: {  	s0 =	sadd.s32 $0x8F2B, s0  }
0x34: {  	[sflag:s0] =	ssyncadd.remote.s32 $0x1  }
0x35: {  	_ =	sfence.sel $0xFFFF  }
0x36: {  	[dreg:$0x0] =	wrdreg $0xFFFFFFFF;
	(pc) =	sbr.abs _section_cstart, $3  }
0x37: {  	[dreg:$0x1] =	wrdreg $0xFFFFFFFF  }
0x38: {  	_ =	task.clear_ibuf [dreg:s6], $0x2FFFF;
	_ =	strace $0x9FFFFFFF  }
0x39: {  	(tm) =	ssettm $0x7FFFFFFF  }
tec
execute0_lowered:
.L_overlay_start_1:
0x0: {  	(tag) =	ssettag $0x1  }
0x1: {  	s0 =	stileid.u32  }
0x2: {  	s1 =	srdreg.scid;
	s5 =	rddreg [dreg:$0x0];
	s31 =	simm.s32 $0x2  }
0x3: {  	s16 =	simm.s32 $0x0;
	s2 =	sshll.u32 s0, $0x6;
	s1 =	sshll.u32 s1, $0xA  }
0x4: {  	s9 =	simm.s32 $0x8000;
	s14 =	simm.s32 $0x0;
	s1 =	sor.u32 s2, s1  }
0x5: {  	s15 =	simm.s32 $0x0;
	s10 =	simm.s32 $0x0;
	s1 =	sand.u32 $0x780, s1  }
0x6: {  	s13 =	simm.s32 $0x0;
	s2 =	sand.u32 $0x1, s0;
	s3 =	ssub.s32 $0x1000, s1  }
0x7: {  	s4 =	ssub.s32 $0x2, s2;
	s12 =	smov.u32 s2;
	s6 =	sand.u32 $0x780, s3  }
0x8: {  	s7 =	sshrl.u32 s4, $0x1;
	p0 =	sne.s32 s6, $0x0;
	s6 =	simm.s32 $0x1  }
0x9: {  	s4 =	sand.u32 $0x1, s4;
	s8 =	sshrl.u32 s3, $0xB;
	s6 =	simm.s32 @!p0 $0x0  }
.Ltmp0:
0xa: {  	s4 =	sadd.s32 s4, s7;
	s6 =	sadd.s32 s6, s8;
	(pc) =	sbr.rel .LBB1_1-.Ltmp0, $4  }
0xb: {  	s11 =	smov.u32 s1;
	s3 =	rddreg [dreg:$0x1];
	s7 =	smul.u32 s6, s4  }
0xc: {  	_ =	strace $0x80000047;
	p0 =	por $0x0, $0x0;
	s6 =	simm.s32 $0x1  }
0xd: {  	s4 =	sadd.s32 $0x1000, s5;
	[sflag:s6] =	ssyncpa.u1 $0x0;
	s7 =	sshll.u32 s7, $0x5  }
0xe: {  	s5 =	sadd.s32 $0x401000, s5;
	[sflag:s31] =	ssyncpa.u1 $0x0;
	s8 =	sor.u32 $0x1, s7  }
.LBB1_4:
0xf: {  	v5 =	vld [tilespmem:s19+$0xFFFFFFD0]  }
0x10: {  	[tilespmem:s20+$0x2040 ss:$0x81] =	vst.msk $0xffff, v1;
	v58 =	vld [tilespmem:s19+$0xFFFFFFE0]  }
0x11: {  	[tilespmem:s20+$0x2850 ss:$0x81] =	vst.msk $0xffff, v2;
	v59 =	vld [tilespmem:s19+$0xFFFFFFF0]  }
0x12: {  	s21 =	sshra.s32 s21, $0x2;
	[tilespmem:s20+$0x3060 ss:$0x81] =	vst.msk $0xffff, v3;
	v60 =	vld [tilespmem:s19+$0x0]  }
0x13: {  	[tilespmem:s20+$0x0 ss:$0x81] =	vst.msk $0xffff, v0;
	v61 =	vld [tilespmem:s19+$0x10];
	s18 =	sadd.s32 s21, s18  }
0x14: {  	s26 =	sshll.u32 s16, $0xC;
	v62 =	vld [tilespmem:s19+$0x20];
	[tilespmem:s18+$0x3870 ss:$0x81] =	vst.msk $0xffff, v4  }
0x15: {  	s27 =	sand.u32 $0x78, s14;
	s22 =	sshll.u32 s14, $0x3;
	v63 =	vld [tilespmem:s19+$0xFFFFFFC0];
	s29 =	sshll.u32 s16, $0x7;
	[tilespmem:s18+$0x810 ss:$0x81] =	vst.msk $0xffff, v5  }
0x16: {  	s15 =	sshll.u32 s15, $0x15;
	s20 =	sand.u32 $0xFF8000, s26;
	s28 =	sand.u32 $0xFFFC00, s22;
	[tilespmem:s18+$0x1020 ss:$0x81] =	vst.msk $0xffff, v58  }
0x17: {  	s31 =	sand.u32 $0x7, s14;
	s22 =	sand.u32 $0xC00, s22;
	s19 =	sadd.s32 s28, s20;
	[tilespmem:s18+$0x1830 ss:$0x81] =	vst.msk $0xffff, v59  }
0x18: {  	s16 =	sand.u32 $0x380, s29;
	s30 =	sor.u32 s27, s22;
	s19 =	sshrl.u32 s19, $0x3;
	[tilespmem:s18+$0x2040 ss:$0x81] =	vst.msk $0xffff, v60  }
0x19: {  	s15 =	sadd.s32 s5, s15;
	s16 =	sor.u32 s16, s30;
	s19 =	sand.u32 $0x1FFE00, s19;
	[tilespmem:s18+$0x2850 ss:$0x81] =	vst.msk $0xffff, v61  }
0x1a: {  	s14 =	sshll.u32 s31, $0x12;
	s16 =	sshrl.u32 s16, $0x3;
	[tilespmem:s18+$0x3060 ss:$0x81] =	vst.msk $0xffff, v62;
	s15 =	sadd.s32 s19, s15  }
0x1b: {  	s14 =	sor.u32 $0x400, s14;
	[tilespmem:s18+$0x0 ss:$0x81] =	vst.msk $0xffff, v63;
	s15 =	sadd.s32 s16, s15  }
0x1c: {  	[hbm4b:s15+s14] =	stream.strided.scatter [tilespmem:s17], [sflag:$0x2], $0x4000, s9, s14, $0x20;
	[tilespmem:$0x10100] =	vst v63  }
.LBB1_5:
0x1d: {  	s17 =	sadd.s32 $0x80, s10  }
0x1e: {  	s14 =	sadd.s32 $0x800, s11;
	s18 =	smov.u32 s11;
	p2 =	sgt.s32 s17, $0xFFF  }
0x1f: {  	s18 =	smov.u32 @p2 s14  }
0x20: {  	s20 =	smov.u32 s12;
	s14 =	sadd.s32 $0x2, s12;
	p3 =	sgt.s32 s18, $0xFFF  }
0x21: {  	s20 =	smov.u32 @p3 s14  }
0x22: {  	s17 =	simm.s32 @p2 $0x0;
	p2 =	sgt.s32 s20, $0x1  }
0x23: {  	p1 =	slt.u32 s13, $0x2;
	s20 =	smov.u32 @p2 s2;
	p2 =	sne.s32 s13, s8  }
.Ltmp1:
0x24: {  	s19 =	simm.s32 @!p1 $0x2;
	(pc) =	sbr.rel @!p2 .LBB1_6-.Ltmp1, $4  }
0x25: {  	s16 =	smov.u32 s10;
	s15 =	smov.u32 s12;
	_ =	swait.ge @!p1 [sflag:s19], $0x4000  }
0x26: {  	p0 =	por !p0, !p0;
	[sflag:s19] =	ssyncset.done @!p1 $0x0;
	s10 =	smov.u32 s17  }
0x27: {  	s18 =	smov.u32 @p3 s1;
	s14 =	smov.u32 s11;
	[sflag:s19] =	ssyncadd.s32 @!p1 $0xFFFFC000  }
0x28: {  	s11 =	smov.u32 s18;
	s13 =	sadd.s32 $0x1, s13;
	s12 =	smov.u32 s20  }
.LBB1_1:
0x29: {  	p1 =	sge.u32 s13, s7;
	s31 =	sadd.s32 $0xFFFFFFFF, s13  }
0x2a: {  	s17 =	sxor.u32 @!p1 $0xFFFFFFFF, s13;
	s18 =	sand.u32 @!p1 $0x78, s10;
	s19 =	sshll.u32 @!p1 s11, $0xC  }
0x2b: {  	s20 =	sshll.u32 @!p1 s11, $0x7;
	s21 =	sshll.u32 @!p1 s10, $0x3;
	s17 =	sshll.u32 @!p1 s17, $0xE  }
0x2c: {  	s19 =	sand.u32 @!p1 $0xFF8000, s19;
	s20 =	sand.u32 @!p1 $0x380, s20;
	s17 =	sand.u32 @!p1 $0x4000, s17  }
0x2d: {  	s19 =	sadd.s32 @!p1 s19, s21;
	s21 =	sand.u32 @!p1 $0xC00, s21;
	s18 =	sor.u32 @!p1 s20, s18  }
0x2e: {  	s20 =	sshll.u32 @!p1 s12, $0x15;
	s18 =	sor.u32 @!p1 s21, s18;
	s19 =	sshrl.u32 @!p1 s19, $0x3  }
0x2f: {  	s20 =	sadd.s32 @!p1 s4, s20;
	s21 =	sand.u32 @!p1 $0x7, s10;
	s19 =	sand.u32 @!p1 $0x1FFE00, s19  }
0x30: {  	s18 =	sshrl.u32 @!p1 s18, $0x3;
	s19 =	sadd.s32 @!p1 s19, s20;
	s20 =	sshll.u32 @!p1 s21, $0x12  }
0x31: {  	s18 =	sadd.s32 @!p1 s18, s19;
	s19 =	sor.u32 @!p1 $0x400, s20;
	s20 =	simm.s32 @!p1 $0x8000  }
0x32: {  	[tilespmem:s17], [sflag:$0x1] =	stream.strided.gather @!p1 [hbm4b:s18+s19], $0x4000, s20, s19, $0x38;
	[tilespmem:$0x10100] =	vst v63  }
0x33: {  	p1 =	sge.u32 s31, s7  }
.Ltmp2:
0x34: {  	_ = 	snop;
	(pc) =	sbr.rel @p1 .LBB1_5-.Ltmp2, $1  }
0x35: {  	_ =	sdelay $0x3  }
0x36: {  	s17 =	simm.s32 $0x1  }
0x37: {  	_ =	swait.ge [sflag:s6], $0x4000;
	s17 =	simm.s32 @!p0 $0x0  }
0x38: {  	[sflag:s6] =	ssyncset.done $0x0;
	s18 =	sshll.u32 s17, $0xE  }
0x39: {  	[sflag:s6] =	ssyncadd.s32 $0xFFFFC000;
	s19 =	sor.u32 $0x40, s18  }
0x3a: {  	s17 =	smul.u32 $0x10200, s17;
	v0 =	vld [tilespmem:s19+$0x30]  }
0x3b: {  	v3 =	vld [tilespmem:s19+$0xFFFFFFD0]  }
0x3c: {  	s17 =	sshrl.u32 s17, $0x2;
	v4 =	vld [tilespmem:s19+$0xFFFFFFE0]  }
0x3d: {  	v5 =	vld [tilespmem:s19+$0xFFFFFFF0];
	s18 =	sor.u32 $0x8000, s17  }
0x3e: {  	s31 =	sand.u32 $0x1, s13;
	v1 =	vld [tilespmem:s19+$0x0];
	s20 =	sadd.s32 $0x0, s18  }
0x3f: {  	v2 =	vld [tilespmem:s19+$0x10];
	s17 =	smul.u32 $0x10200, s31;
	[tilespmem:s20+$0x3870 ss:$0x81] =	vst.msk $0xffff, v0  }
0x40: {  	[tilespmem:s20+$0x810 ss:$0x81] =	vst.msk $0xffff, v3;
	v3 =	vld [tilespmem:s19+$0x20]  }
0x41: {  	s17 =	sshrl.u32 s17, $0x2;
	v0 =	vld [tilespmem:s19+$0xFFFFFFC0];
	[tilespmem:s20+$0x1020 ss:$0x81] =	vst.msk $0xffff, v4;
	s19 =	sadd.s32 $0x80, s19  }
0x42: {  	s21 =	simm.s32 $0x4;
	s22 =	simm.s32 $0x8;
	s17 =	sor.u32 $0x8000, s17;
	[tilespmem:s20+$0x1830 ss:$0x81] =	vst.msk $0xffff, v5;
	v4 =	vld [tilespmem:s19+$0x30]  }
.LBB1_3:
0x43: {  	p1 =	sne.s32 s22, $0x1FC;
	v5 =	vld [tilespmem:s19+$0xFFFFFFD0];
	[tilespmem:s20+$0x2040 ss:$0x81] =	vst.msk $0xffff, v1  }
0x44: {  	v6 =	vld [tilespmem:s19+$0xFFFFFFE0];
	[tilespmem:s20+$0x2850 ss:$0x81] =	vst.msk $0xffff, v2  }
0x45: {  	s23 =	sshra.s32 s21, $0x2;
	s21 =	smov.u32 s22;
	v7 =	vld [tilespmem:s19+$0xFFFFFFF0];
	[tilespmem:s20+$0x3060 ss:$0x81] =	vst.msk $0xffff, v3  }
.Ltmp3:
0x46: {  	v1 =	vld [tilespmem:s19+$0x0];
	[tilespmem:s20+$0x0 ss:$0x81] =	vst.msk $0xffff, v0;
	s20 =	sadd.s32 s23, s18;
	(pc) =	sbr.rel @p1 .LBB1_3-.Ltmp3, $4  }
0x47: {  	v2 =	vld [tilespmem:s19+$0x10];
	[tilespmem:s20+$0x3870 ss:$0x81] =	vst.msk $0xffff, v4  }
0x48: {  	[tilespmem:s20+$0x810 ss:$0x81] =	vst.msk $0xffff, v5;
	v3 =	vld [tilespmem:s19+$0x20]  }
0x49: {  	v0 =	vld [tilespmem:s19+$0xFFFFFFC0];
	[tilespmem:s20+$0x1020 ss:$0x81] =	vst.msk $0xffff, v6;
	s19 =	sadd.s32 $0x80, s19  }
0x4a: {  	s22 =	sadd.s32 $0x4, s22;
	v4 =	vld [tilespmem:s19+$0x30];
	[tilespmem:s20+$0x1830 ss:$0x81] =	vst.msk $0xffff, v7  }
.Ltmp4:
0x4b: {  	_ = 	snop;
	(pc) =	sbr.rel .LBB1_4-.Ltmp4, $1  }
0x4c: {  	_ =	sdelay $0x3  }
.LBB1_6:
0x4d: {  	_ =	sfence.sel $0x180000  }
0x4e: {  	s1 =	simm.s32 $0x1;
	[bflag:$0x0] =	sbarrier.arrive $0xFFFF  }
0x4f: {  	s31 =	simm.s32 $0x2;
	[sflag:s1] =	ssyncpa.u1 $0x1  }
0x50: {  	[sflag:s31] =	ssyncpa.u1 $0x1  }
0x51: {  	p0 =	sne.s32 s0, $0x0;
	_ =	strace $0x90000047  }
0x52: {  	s0 =	sadd.s32 @!p0 $0x100000, s3;
	[bflag:$0x2] =	sbarrier.arrive $0xFFFF  }
0x53: {  	[sflag:s0] =	ssyncadd.tile.s32 @!p0 $0x1;
	_ =	shalt  }
.Lfunc_end1:
_tile_overlayer_lowered:
.L_overlay_start_2:
0x54: {  	(tag) =	ssettag $0x2  }
0x55: {  	s0 =	rddreg [dreg:$0x0];
	s2 =	stileid.u32  }
0x56: {  	s1 =	rddreg [dreg:$0x1];
	p0 =	sne.s32 s2, $0x0  }
0x57: {  	s3 =	rddreg [dreg:$0x2];
	[bflag:$0x3] =	sbarrier.arrive $0xFFFF;
	s2 =	simm.s32 @!p0 $0x1C01  }
0x58: {  	[timem:s3], [sflag:s2] =	dma.local @!p0 [hbm:s0], s1  }
0x59: {  	s0 =	simm.s32 @!p0 $0x1  }
0x5a: {  	_ =	swait.ge @!p0 [sflag:s0], s1  }
0x5b: {  	s1 =	ssub.s32 @!p0 $0x0, s1;
	[sflag:s0] =	ssyncset.done @!p0 $0x0  }
0x5c: {  	[sflag:s0] =	ssyncadd.s32 @!p0 s1  }
0x5d: {  	[bflag:$0x3] =	sbarrier.arrive $0xFFFF  }
0x5e: {  	_ =	shalt  }

</sc_bundles>
